<compile_context>
chip_gen: v7x
topology: tpu7x:2x2x1
jax: 0.10.2.dev20260603
libtpu: 0.0.44.dev20260713+nightly
codegen_flags: <defaults>
</compile_context>

<pallas_src>
import functools

import jax
import jax.numpy as jnp
from jax import lax
from jax.experimental import pallas as pl
from jax.experimental.pallas import tpu as pltpu
from jax.experimental.pallas import tpu_sc as plsc

_B, _C, _H, _W = 2, 96, 112, 112
_HW = _H * _W
_OHW = 4 * _HW
_P = _B * _C
_NW = 32
_PPW = _P // _NW
_VECS = _HW // 16
_ZVECS = _OHW // 16

_mesh = plsc.VectorSubcoreMesh(core_axis_name="c", subcore_axis_name="s")


@functools.partial(
    pl.kernel,
    out_type=jax.ShapeDtypeStruct((_P, _OHW), jnp.float32),
    mesh=_mesh,
    scratch_types=[
        pltpu.VMEM((_HW,), jnp.float32),
        pltpu.VMEM((_HW,), jnp.int32),
        pltpu.VMEM((_OHW,), jnp.float32),
    ],
    compiler_params=pltpu.CompilerParams(needs_layout_passes=False),
)
def _unpool(x_hbm, idx_hbm, out_hbm, xbuf, idxbuf, outbuf):
    wid = lax.axis_index("s") * 2 + lax.axis_index("c")
    zeros = jnp.zeros((16,), jnp.float32)

    def plane_body(p, carry):
        plane = wid * _PPW + p
        pltpu.sync_copy(x_hbm.at[plane], xbuf)
        pltpu.sync_copy(idx_hbm.at[plane], idxbuf)

        def zbody(j, c):
            outbuf[pl.ds(j * 16, 16)] = zeros
            return c

        lax.fori_loop(0, _ZVECS, zbody, 0, unroll=8)

        def sbody(k, c):
            idxv = idxbuf[pl.ds(k * 16, 16)]
            xv = xbuf[pl.ds(k * 16, 16)]
            plsc.store_scatter(outbuf, [idxv], xv)
            return c

        lax.fori_loop(0, _VECS, sbody, 0)
        pltpu.sync_copy(outbuf, out_hbm.at[plane])
        return carry

    lax.fori_loop(0, _PPW, plane_body, 0)


def kernel(x, indices):
    x2 = x.reshape(_P, _HW)
    idx2 = indices.reshape(_P, _HW).astype(jnp.int32)
    out = _unpool(x2, idx2)
    return out.reshape(_B, _C, 2 * _H, 2 * _W)

# --- scband reference (transcript-rebuilt; emitter-appended) ---
"""Pipeline reference for scband-one-layer-net-un-pool-31482110280153 (READ-ONLY COPY).

The authoritative reference and input builder live on the scoring server;
editing this copy changes nothing except your own understanding.
"""

import jax, jax.numpy as jnp
import numpy as np

def setup_inputs(seed: int = 0) -> dict:
    key = jax.random.key(seed)
    k1, k2 = jax.random.split(key)
    B, C, H, W = 2, 96, 112, 112
    Ho, Wo = 2 * H, 2 * W
    x = jax.random.normal(k1, (B, C, H, W), dtype=jnp.float32)
    indices = jax.random.randint(k2, (B, C, H, W), 0, Ho * Wo, dtype=jnp.int64)
    return {"x": x, "indices": indices}

def reference(x, indices):
    # Faithful translation of nn.MaxUnpool2d(kernel_size=2, stride=2):
    # output[b, c].flatten()[indices[b, c, i, j]] = x[b, c, i, j]
    B, C, H, W = x.shape
    Ho, Wo = 2 * H, 2 * W
    xf = x.reshape(B, C, H * W)
    idxf = indices.reshape(B, C, H * W)
    out = jnp.zeros((B, C, Ho * Wo), dtype=x.dtype)
    b_idx = jnp.arange(B)[:, None, None]
    c_idx = jnp.arange(C)[None, :, None]
    out = out.at[b_idx, c_idx, idxf].set(xf)
    return out.reshape(B, C, Ho, Wo)

if __name__ == "__main__":
    import jax
    _d = setup_inputs()
    print(jax.jit(kernel)(*tuple(_d.values())))

</pallas_src>

<mosaic_0001>
#map = affine_map<(d0, d1) -> (0, 0)>
module attributes {stable_mosaic.version = 14 : i64} {
  func.func @_unpool(%arg0: i32, %arg1: i32, %arg2: memref<192x12544xf32, #tpu.memory_space<hbm>>, %arg3: memref<192x12544xi32, #tpu.memory_space<hbm>>, %arg4: memref<192x50176xf32, #tpu.memory_space<hbm>>, %arg5: memref<12544xf32, #tpu.memory_space<vmem>>, %arg6: memref<12544xi32, #tpu.memory_space<vmem>>, %arg7: memref<50176xf32, #tpu.memory_space<vmem>>) attributes {dimension_semantics = [#tpu.dimension_semantics<core_parallel>, #tpu.dimension_semantics<subcore_parallel>], iteration_bounds = array<i64: 2, 16>, scalar_prefetch = 0 : i64, scratch_operands = 3 : i64, tpu.core_type = #tpu.core_type<sc_vector_subcore>, window_params = [{transform_indices = #map}, {transform_indices = #map}, {transform_indices = #map}]} {
    %mul3A = arith.constant 2 : i32
    %mul3A_0 = arith.muli %arg1, %mul3A : i32
    %add3A = arith.addi %mul3A_0, %arg0 : i32
    %broadcast_in_dim3A = arith.constant 0.000000e+00 : f32
    %broadcast_in_dim3A_1 = vector.broadcast %broadcast_in_dim3A : f32 to vector<16xf32>
    %scan3A = arith.constant 0 : i32
    %scan3A_2 = arith.constant 0 : i32
    %scan3A_3 = arith.constant 6 : i32
    %scan3A_4 = arith.addi %scan3A_2, %scan3A_3 : i32
    %scan3A_5 = arith.constant 1 : i32
    scf.for %scan3A_7 = %scan3A_2 to %scan3A_4 step %scan3A_5  : i32 {
      %mul3A_8 = arith.constant 6 : i32
      %mul3A_9 = arith.muli %add3A, %mul3A_8 : i32
      %add3A_10 = arith.addi %mul3A_9, %scan3A_7 : i32
      "tpu.region"() ({
        %run_scoped3A = tpu.sem_alloc : memref<!tpu.dma_semaphore, #tpu.memory_space<semaphore_mem>>
        %dma_start3A = arith.constant 0 : i32
        %dma_start3A_23 = tpu.memref_slice %arg2[%add3A_10, %dma_start3A] : memref<192x12544xf32, #tpu.memory_space<hbm>> -> memref<1x12544xf32, #tpu.memory_space<hbm>>
        %dma_start3A_24 = tpu.memref_squeeze %dma_start3A_23 : memref<1x12544xf32, #tpu.memory_space<hbm>> -> memref<12544xf32, #tpu.memory_space<hbm>>
        %dma_start3A_25 = arith.constant 0 : i32
        %dma_start3A_26 = tpu.memref_slice %arg2[%add3A_10, %dma_start3A_25] : memref<192x12544xf32, #tpu.memory_space<hbm>> -> memref<1x12544xf32, #tpu.memory_space<hbm>>
        %dma_start3A_27 = tpu.memref_squeeze %dma_start3A_26 : memref<1x12544xf32, #tpu.memory_space<hbm>> -> memref<12544xf32, #tpu.memory_space<hbm>>
        tpu.enqueue_dma source(%dma_start3A_27 : memref<12544xf32, #tpu.memory_space<hbm>>) target(%arg5 : memref<12544xf32, #tpu.memory_space<vmem>>) target_semaphore(%run_scoped3A : memref<!tpu.dma_semaphore, #tpu.memory_space<semaphore_mem>>)
        %dma_wait3A = arith.constant 0 : i32
        %dma_wait3A_28 = tpu.memref_slice %arg2[%add3A_10, %dma_wait3A] : memref<192x12544xf32, #tpu.memory_space<hbm>> -> memref<1x12544xf32, #tpu.memory_space<hbm>>
        %dma_wait3A_29 = tpu.memref_squeeze %dma_wait3A_28 : memref<1x12544xf32, #tpu.memory_space<hbm>> -> memref<12544xf32, #tpu.memory_space<hbm>>
        %dma_wait3A_30 = arith.constant 0 : i32
        %dma_wait3A_31 = tpu.memref_slice %arg2[%add3A_10, %dma_wait3A_30] : memref<192x12544xf32, #tpu.memory_space<hbm>> -> memref<1x12544xf32, #tpu.memory_space<hbm>>
        %dma_wait3A_32 = tpu.memref_squeeze %dma_wait3A_31 : memref<1x12544xf32, #tpu.memory_space<hbm>> -> memref<12544xf32, #tpu.memory_space<hbm>>
        tpu.wait_dma2 semaphore(%run_scoped3A : memref<!tpu.dma_semaphore, #tpu.memory_space<semaphore_mem>>) src(%dma_wait3A_32 : memref<12544xf32, #tpu.memory_space<hbm>>) dst(%arg5 : memref<12544xf32, #tpu.memory_space<vmem>>)
        tpu.yield
      }) : () -> ()
      "tpu.region"() ({
        %run_scoped3A = tpu.sem_alloc : memref<!tpu.dma_semaphore, #tpu.memory_space<semaphore_mem>>
        %dma_start3A = arith.constant 0 : i32
        %dma_start3A_23 = tpu.memref_slice %arg3[%add3A_10, %dma_start3A] : memref<192x12544xi32, #tpu.memory_space<hbm>> -> memref<1x12544xi32, #tpu.memory_space<hbm>>
        %dma_start3A_24 = tpu.memref_squeeze %dma_start3A_23 : memref<1x12544xi32, #tpu.memory_space<hbm>> -> memref<12544xi32, #tpu.memory_space<hbm>>
        %dma_start3A_25 = arith.constant 0 : i32
        %dma_start3A_26 = tpu.memref_slice %arg3[%add3A_10, %dma_start3A_25] : memref<192x12544xi32, #tpu.memory_space<hbm>> -> memref<1x12544xi32, #tpu.memory_space<hbm>>
        %dma_start3A_27 = tpu.memref_squeeze %dma_start3A_26 : memref<1x12544xi32, #tpu.memory_space<hbm>> -> memref<12544xi32, #tpu.memory_space<hbm>>
        tpu.enqueue_dma source(%dma_start3A_27 : memref<12544xi32, #tpu.memory_space<hbm>>) target(%arg6 : memref<12544xi32, #tpu.memory_space<vmem>>) target_semaphore(%run_scoped3A : memref<!tpu.dma_semaphore, #tpu.memory_space<semaphore_mem>>)
        %dma_wait3A = arith.constant 0 : i32
        %dma_wait3A_28 = tpu.memref_slice %arg3[%add3A_10, %dma_wait3A] : memref<192x12544xi32, #tpu.memory_space<hbm>> -> memref<1x12544xi32, #tpu.memory_space<hbm>>
        %dma_wait3A_29 = tpu.memref_squeeze %dma_wait3A_28 : memref<1x12544xi32, #tpu.memory_space<hbm>> -> memref<12544xi32, #tpu.memory_space<hbm>>
        %dma_wait3A_30 = arith.constant 0 : i32
        %dma_wait3A_31 = tpu.memref_slice %arg3[%add3A_10, %dma_wait3A_30] : memref<192x12544xi32, #tpu.memory_space<hbm>> -> memref<1x12544xi32, #tpu.memory_space<hbm>>
        %dma_wait3A_32 = tpu.memref_squeeze %dma_wait3A_31 : memref<1x12544xi32, #tpu.memory_space<hbm>> -> memref<12544xi32, #tpu.memory_space<hbm>>
        tpu.wait_dma2 semaphore(%run_scoped3A : memref<!tpu.dma_semaphore, #tpu.memory_space<semaphore_mem>>) src(%dma_wait3A_32 : memref<12544xi32, #tpu.memory_space<hbm>>) dst(%arg6 : memref<12544xi32, #tpu.memory_space<vmem>>)
        tpu.yield
      }) : () -> ()
      %scan3A_11 = arith.constant 0 : i32
      %scan3A_12 = arith.constant 0 : i32
      %scan3A_13 = arith.constant 3136 : i32
      %scan3A_14 = arith.addi %scan3A_12, %scan3A_13 : i32
      %scan3A_15 = arith.constant 8 : i32
      scf.for %scan3A_23 = %scan3A_12 to %scan3A_14 step %scan3A_15  : i32 {
        %mul3A_24 = arith.constant 16 : i32
        %mul3A_25 = arith.muli %scan3A_23, %mul3A_24 : i32
        %swap3A = arith.index_cast %mul3A_25 : i32 to index
        %swap3A_26 = tpu.vector_load %arg7[%swap3A] {strides = array<i32>} : memref<50176xf32, #tpu.memory_space<vmem>>, vector<16xf32>,
        tpu.vector_store %arg7[%swap3A], %broadcast_in_dim3A_1 {strides = array<i32>} : memref<50176xf32, #tpu.memory_space<vmem>>, vector<16xf32>,
        %scan3A_27 = arith.constant 1 : i32
        %scan3A_28 = arith.addi %scan3A_23, %scan3A_27 : i32
        %mul3A_29 = arith.constant 16 : i32
        %mul3A_30 = arith.muli %scan3A_28, %mul3A_29 : i32
        %swap3A_31 = arith.index_cast %mul3A_30 : i32 to index
        %swap3A_32 = tpu.vector_load %arg7[%swap3A_31] {strides = array<i32>} : memref<50176xf32, #tpu.memory_space<vmem>>, vector<16xf32>,
        tpu.vector_store %arg7[%swap3A_31], %broadcast_in_dim3A_1 {strides = array<i32>} : memref<50176xf32, #tpu.memory_space<vmem>>, vector<16xf32>,
        %scan3A_33 = arith.constant 2 : i32
        %scan3A_34 = arith.addi %scan3A_23, %scan3A_33 : i32
        %mul3A_35 = arith.constant 16 : i32
        %mul3A_36 = arith.muli %scan3A_34, %mul3A_35 : i32
        %swap3A_37 = arith.index_cast %mul3A_36 : i32 to index
        %swap3A_38 = tpu.vector_load %arg7[%swap3A_37] {strides = array<i32>} : memref<50176xf32, #tpu.memory_space<vmem>>, vector<16xf32>,
        tpu.vector_store %arg7[%swap3A_37], %broadcast_in_dim3A_1 {strides = array<i32>} : memref<50176xf32, #tpu.memory_space<vmem>>, vector<16xf32>,
        %scan3A_39 = arith.constant 3 : i32
        %scan3A_40 = arith.addi %scan3A_23, %scan3A_39 : i32
        %mul3A_41 = arith.constant 16 : i32
        %mul3A_42 = arith.muli %scan3A_40, %mul3A_41 : i32
        %swap3A_43 = arith.index_cast %mul3A_42 : i32 to index
        %swap3A_44 = tpu.vector_load %arg7[%swap3A_43] {strides = array<i32>} : memref<50176xf32, #tpu.memory_space<vmem>>, vector<16xf32>,
        tpu.vector_store %arg7[%swap3A_43], %broadcast_in_dim3A_1 {strides = array<i32>} : memref<50176xf32, #tpu.memory_space<vmem>>, vector<16xf32>,
        %scan3A_45 = arith.constant 4 : i32
        %scan3A_46 = arith.addi %scan3A_23, %scan3A_45 : i32
        %mul3A_47 = arith.constant 16 : i32
        %mul3A_48 = arith.muli %scan3A_46, %mul3A_47 : i32
        %swap3A_49 = arith.index_cast %mul3A_48 : i32 to index
        %swap3A_50 = tpu.vector_load %arg7[%swap3A_49] {strides = array<i32>} : memref<50176xf32, #tpu.memory_space<vmem>>, vector<16xf32>,
        tpu.vector_store %arg7[%swap3A_49], %broadcast_in_dim3A_1 {strides = array<i32>} : memref<50176xf32, #tpu.memory_space<vmem>>, vector<16xf32>,
        %scan3A_51 = arith.constant 5 : i32
        %scan3A_52 = arith.addi %scan3A_23, %scan3A_51 : i32
        %mul3A_53 = arith.constant 16 : i32
        %mul3A_54 = arith.muli %scan3A_52, %mul3A_53 : i32
        %swap3A_55 = arith.index_cast %mul3A_54 : i32 to index
        %swap3A_56 = tpu.vector_load %arg7[%swap3A_55] {strides = array<i32>} : memref<50176xf32, #tpu.memory_space<vmem>>, vector<16xf32>,
        tpu.vector_store %arg7[%swap3A_55], %broadcast_in_dim3A_1 {strides = array<i32>} : memref<50176xf32, #tpu.memory_space<vmem>>, vector<16xf32>,
        %scan3A_57 = arith.constant 6 : i32
        %scan3A_58 = arith.addi %scan3A_23, %scan3A_57 : i32
        %mul3A_59 = arith.constant 16 : i32
        %mul3A_60 = arith.muli %scan3A_58, %mul3A_59 : i32
        %swap3A_61 = arith.index_cast %mul3A_60 : i32 to index
        %swap3A_62 = tpu.vector_load %arg7[%swap3A_61] {strides = array<i32>} : memref<50176xf32, #tpu.memory_space<vmem>>, vector<16xf32>,
        tpu.vector_store %arg7[%swap3A_61], %broadcast_in_dim3A_1 {strides = array<i32>} : memref<50176xf32, #tpu.memory_space<vmem>>, vector<16xf32>,
        %scan3A_63 = arith.constant 7 : i32
        %scan3A_64 = arith.addi %scan3A_23, %scan3A_63 : i32
        %mul3A_65 = arith.constant 16 : i32
        %mul3A_66 = arith.muli %scan3A_64, %mul3A_65 : i32
        %swap3A_67 = arith.index_cast %mul3A_66 : i32 to index
        %swap3A_68 = tpu.vector_load %arg7[%swap3A_67] {strides = array<i32>} : memref<50176xf32, #tpu.memory_space<vmem>>, vector<16xf32>,
        tpu.vector_store %arg7[%swap3A_67], %broadcast_in_dim3A_1 {strides = array<i32>} : memref<50176xf32, #tpu.memory_space<vmem>>, vector<16xf32>,
      }
      %scan3A_16 = arith.constant 3136 : i32
      %scan3A_17 = arith.constant 0 : i32
      %scan3A_18 = arith.constant 0 : i32
      %scan3A_19 = arith.constant 784 : i32
      %scan3A_20 = arith.addi %scan3A_18, %scan3A_19 : i32
      %scan3A_21 = arith.constant 1 : i32
      scf.for %scan3A_23 = %scan3A_18 to %scan3A_20 step %scan3A_21  : i32 {
        %mul3A_24 = arith.constant 16 : i32
        %mul3A_25 = arith.muli %scan3A_23, %mul3A_24 : i32
        %get3A = arith.index_cast %mul3A_25 : i32 to index
        %get3A_26 = tpu.vector_load %arg6[%get3A] {strides = array<i32>} : memref<12544xi32, #tpu.memory_space<vmem>>, vector<16xi32>,
        %mul3A_27 = arith.constant 16 : i32
        %mul3A_28 = arith.muli %scan3A_23, %mul3A_27 : i32
        %get3A_29 = arith.index_cast %mul3A_28 : i32 to index
        %get3A_30 = tpu.vector_load %arg5[%get3A_29] {strides = array<i32>} : memref<12544xf32, #tpu.memory_space<vmem>>, vector<16xf32>,
        tpu.vector_store_idx %arg7[%get3A_26], %get3A_30 : memref<50176xf32, #tpu.memory_space<vmem>>[vector<16xi32>], vector<16xf32>,
      }
      %scan3A_22 = arith.constant 784 : i32
      "tpu.region"() ({
        %run_scoped3A = tpu.sem_alloc : memref<!tpu.dma_semaphore, #tpu.memory_space<semaphore_mem>>
        %dma_start3A = arith.constant 0 : i32
        %dma_start3A_23 = tpu.memref_slice %arg4[%add3A_10, %dma_start3A] : memref<192x50176xf32, #tpu.memory_space<hbm>> -> memref<1x50176xf32, #tpu.memory_space<hbm>>
        %dma_start3A_24 = tpu.memref_squeeze %dma_start3A_23 : memref<1x50176xf32, #tpu.memory_space<hbm>> -> memref<50176xf32, #tpu.memory_space<hbm>>
        %dma_start3A_25 = arith.constant 0 : i32
        %dma_start3A_26 = tpu.memref_slice %arg4[%add3A_10, %dma_start3A_25] : memref<192x50176xf32, #tpu.memory_space<hbm>> -> memref<1x50176xf32, #tpu.memory_space<hbm>>
        %dma_start3A_27 = tpu.memref_squeeze %dma_start3A_26 : memref<1x50176xf32, #tpu.memory_space<hbm>> -> memref<50176xf32, #tpu.memory_space<hbm>>
        tpu.enqueue_dma source(%arg7 : memref<50176xf32, #tpu.memory_space<vmem>>) target(%dma_start3A_27 : memref<50176xf32, #tpu.memory_space<hbm>>) target_semaphore(%run_scoped3A : memref<!tpu.dma_semaphore, #tpu.memory_space<semaphore_mem>>)
        %dma_wait3A = arith.constant 0 : i32
        %dma_wait3A_28 = tpu.memref_slice %arg4[%add3A_10, %dma_wait3A] : memref<192x50176xf32, #tpu.memory_space<hbm>> -> memref<1x50176xf32, #tpu.memory_space<hbm>>
        %dma_wait3A_29 = tpu.memref_squeeze %dma_wait3A_28 : memref<1x50176xf32, #tpu.memory_space<hbm>> -> memref<50176xf32, #tpu.memory_space<hbm>>
        %dma_wait3A_30 = arith.constant 0 : i32
        %dma_wait3A_31 = tpu.memref_slice %arg4[%add3A_10, %dma_wait3A_30] : memref<192x50176xf32, #tpu.memory_space<hbm>> -> memref<1x50176xf32, #tpu.memory_space<hbm>>
        %dma_wait3A_32 = tpu.memref_squeeze %dma_wait3A_31 : memref<1x50176xf32, #tpu.memory_space<hbm>> -> memref<50176xf32, #tpu.memory_space<hbm>>
        tpu.wait_dma2 semaphore(%run_scoped3A : memref<!tpu.dma_semaphore, #tpu.memory_space<semaphore_mem>>) src(%arg7 : memref<50176xf32, #tpu.memory_space<vmem>>) dst(%dma_wait3A_32 : memref<50176xf32, #tpu.memory_space<hbm>>)
        tpu.yield
      }) : () -> ()
    }
    %scan3A_6 = arith.constant 6 : i32
    return
  }
}

</mosaic_0001>

<sc_bundles>
// kernel: kernel.3.cloned.1.call-start
scs
__scs_entry_jumppad:
0x0: {  	(pc) =	sbr.rel $0x88, $3  }
0x1: {  	(tag) =	ssettag $0x0;
	lr =	simm.s32 $0x1  }
0x2: {  	[smem:$0x3F9F] =	sst lr;
	_ =	strace $0xD0000000  }
0x3: {  	_ = 	snop  }
0x4: {  	_ = 	snop  }
0x5: {  	_ = 	snop  }
0x6: {  	_ = 	snop  }
0x7: {  	_ = 	snop  }
__scs_overlays_trampoline_lowered:
0x8: {  	[smem:$0x3FAE] =	sst s0  }
0x9: {  	[smem:$0x3FAF] =	sst s1  }
0xa: {  	[smem:$0x3FB0] =	sst s2  }
0xb: {  	[smem:$0x3FB1] =	sst s3  }
0xc: {  	[smem:$0x3FB2] =	sst s4  }
0xd: {  	[smem:$0x3FB3] =	sst s5  }
0xe: {  	[smem:$0x3FB4] =	sst s6  }
0xf: {  	[smem:$0x3FB5] =	sst s7  }
0x10: {  	[smem:$0x3FB6] =	sst s8  }
0x11: {  	[smem:$0x3FB7] =	sst s9;
	s0 =	simm.s32 @!p0 $0x0  }
0x12: {  	s1 =	sld [smem:$0x3F9D];
	s0 =	simm.s32 @p0 $0x1  }
0x13: {  	[smem:$0x3FB8] =	sst s0;
	s0 =	simm.s32 @!p1 $0x0  }
0x14: {  	s2 =	sld [smem:$0x3F9C];
	s0 =	simm.s32 @p1 $0x1  }
0x15: {  	[smem:$0x3FB9] =	sst s0;
	s0 =	simm.s32 @!p2 $0x0  }
0x16: {  	s3 =	sld [smem:$0x3FDB];
	s0 =	simm.s32 @p2 $0x1  }
0x17: {  	s4 =	simm.s32 $0x1BF5;
	[smem:$0x3FBB] =	sst s0  }
0x18: {  	s0 =	sld [smem:$0x3F9E];
	_ =	swait.ge [sflag:s4], $0x0  }
0x19: {  	s7 =	sld [smem:$0x3F9F]  }
0x1a: {  	s8 =	sadd.s32 $0xFFFFE003, lr  }
0x1b: {  	s9 =	sadd.s32 $0xFFFFFEF7, lr;
	s5 =	simm.s32 $0xFFFFFFFF;
	p2 =	slt.u32 s8, $0xFFFFF086  }
0x1c: {  	p1 =	slt.u32 s9, $0xF7A;
	s5 =	simm.s32 @!p2 $0x0  }
0x1d: {  	s5 =	simm.s32 @p1 $0x1;
	p0 =	seq.s32 s7, s2  }
0x1e: {  	s7 =	smul.u32 @!p0 $0xF7A, s2;
	p2 =	seq.s32 @!p0 s5, $0x0  }
0x1f: {  	s9 =	smul.u32 $0xF7A, s1;
	s8 =	simm.s32 @!p0 $0x1BF5;
	p2 =	por !p2, p0  }
0x20: {  	[sflag:s8] =	ssyncset.s32 @!p0 $0xFFFFF086;
	s6 =	sadd.s32 @!p0 s3, s7;
	s7 =	simm.s32 @!p0 $0x108  }
0x21: {  	s3 =	sadd.s32 s3, s9;
	s6 =	sadd.s32 @!p0 $0x88, s6;
	s7 =	simm.s32 @p2 $0x1082  }
0x22: {  	[simem:s7], [sflag:s8] =	dma.local @!p0 [hbm:s6], $0xF7A  }
0x23: {  	s9 =	sor.u32 $0xD0000000, s2;
	s6 =	simm.s32 $0x108;
	_ =	swait.ge @!p0 [sflag:s8], $0x0  }
0x24: {  	s3 =	sadd.s32 $0x88, s3;
	s6 =	simm.s32 @!p1 $0x1082;
	[sflag:s4] =	ssyncset.s32 $0xFFFFF086  }
0x25: {  	[simem:s6], [sflag:s4] =	dma.local [hbm:s3], $0xF7A  }
0x26: {  	[smem:$0x3F9F] =	sst s1;
	(tag) =	ssettag s2;
	_ =	strace s9  }
0x27: {  	s1 =	sld [smem:$0x3FAF]  }
0x28: {  	s2 =	sld [smem:$0x3FB0]  }
0x29: {  	s4 =	sld [smem:$0x3FB2]  }
0x2a: {  	p0 =	seq.s32 s5, $0x0;
	s5 =	sld [smem:$0x3FB3]  }
0x2b: {  	s6 =	sld [smem:$0x3FB4]  }
0x2c: {  	s7 =	sld [smem:$0x3FB5]  }
0x2d: {  	s3 =	simm.s32 $0x108;
	s8 =	sld [smem:$0x3FB6]  }
0x2e: {  	s3 =	simm.s32 @!p0 $0x1082;
	s9 =	sld [smem:$0x3FB7]  }
0x2f: {  	lr =	sadd.s32 s0, s3;
	s0 =	sld [smem:$0x3FAE]  }
0x30: {  	s3 =	sld [smem:$0x3FB1]  }
0x31: {  	[smem:$0x3FBA] =	sst s10  }
0x32: {  	s10 =	sld [smem:$0x3FB8];
	_ =	sdelay $0x3  }
0x33: {  	p0 =	seq.s32 s10, $0x1;
	s10 =	sld [smem:$0x3FBA];
	_ =	sdelay $0x3  }
0x34: {  	[smem:$0x3FBA] =	sst s10  }
0x35: {  	s10 =	sld [smem:$0x3FB9];
	_ =	sdelay $0x3  }
0x36: {  	p1 =	seq.s32 s10, $0x1;
	s10 =	sld [smem:$0x3FBA];
	_ =	sdelay $0x3  }
0x37: {  	[smem:$0x3FBA] =	sst s10  }
0x38: {  	s10 =	sld [smem:$0x3FBB]  }
0x39: {  	_ = 	snop;
	(pc) =	sbr.ind lr, $3  }
0x3a: {  	_ = 	snop  }
0x3b: {  	_ = 	snop  }
0x3c: {  	p2 =	seq.s32 s10, $0x1;
	s10 =	sld [smem:$0x3FBA]  }
0x3d: {  	_ =	shalt  }
0x3e: {  	_ =	shalt  }
0x3f: {  	_ =	shalt  }
0x40: {  	_ =	shalt  }
0x41: {  	_ =	shalt  }
0x42: {  	_ =	shalt  }
0x43: {  	_ =	shalt  }
0x44: {  	_ =	shalt  }
0x45: {  	_ =	shalt  }
0x46: {  	_ =	shalt  }
0x47: {  	_ =	shalt  }
0x48: {  	_ =	shalt  }
0x49: {  	_ =	shalt  }
0x4a: {  	_ =	shalt  }
0x4b: {  	_ =	shalt  }
0x4c: {  	_ =	shalt  }
0x4d: {  	_ =	shalt  }
0x4e: {  	_ =	shalt  }
0x4f: {  	_ =	shalt  }
0x50: {  	_ =	shalt  }
0x51: {  	_ =	shalt  }
0x52: {  	_ =	shalt  }
0x53: {  	_ =	shalt  }
0x54: {  	_ =	shalt  }
0x55: {  	_ =	shalt  }
0x56: {  	_ =	shalt  }
0x57: {  	_ =	shalt  }
0x58: {  	_ =	shalt  }
0x59: {  	_ =	shalt  }
0x5a: {  	_ =	shalt  }
0x5b: {  	_ =	shalt  }
0x5c: {  	_ =	shalt  }
0x5d: {  	_ =	shalt  }
0x5e: {  	_ =	shalt  }
0x5f: {  	_ =	shalt  }
0x60: {  	_ =	shalt  }
0x61: {  	_ =	shalt  }
0x62: {  	_ =	shalt  }
0x63: {  	_ =	shalt  }
0x64: {  	_ =	shalt  }
0x65: {  	_ =	shalt  }
0x66: {  	_ =	shalt  }
0x67: {  	_ =	shalt  }
0x68: {  	_ =	shalt  }
0x69: {  	_ =	shalt  }
0x6a: {  	_ =	shalt  }
0x6b: {  	_ =	shalt  }
0x6c: {  	_ =	shalt  }
0x6d: {  	_ =	shalt  }
0x6e: {  	_ =	shalt  }
0x6f: {  	_ =	shalt  }
0x70: {  	_ =	shalt  }
0x71: {  	_ =	shalt  }
0x72: {  	_ =	shalt  }
0x73: {  	_ =	shalt  }
0x74: {  	_ =	shalt  }
0x75: {  	_ =	shalt  }
0x76: {  	_ =	shalt  }
0x77: {  	_ =	shalt  }
0x78: {  	_ =	shalt  }
0x79: {  	_ =	shalt  }
0x7a: {  	_ =	shalt  }
0x7b: {  	_ =	shalt  }
0x7c: {  	_ =	shalt  }
0x7d: {  	_ =	shalt  }
0x7e: {  	_ =	shalt  }
0x7f: {  	_ =	shalt  }
0x80: {  	_ =	shalt  }
0x81: {  	_ =	shalt  }
0x82: {  	_ =	shalt  }
0x83: {  	_ =	shalt  }
0x84: {  	_ =	shalt  }
0x85: {  	_ =	shalt  }
0x86: {  	_ =	shalt  }
0x87: {  	_ =	shalt  }
.Lfunc_end0:
.L_simem_size_0:
called_computation_lowered:
.L_overlay_start_0:
0x88: {  	s2 =	sld [smem:$0x3FD9]  }
0x89: {  	s3 =	sld [smem:$0x3FFE];
	_ =	sdelay $0x1  }
0x8a: {  	s1 =	srdreg.scid  }
0x8b: {  	s0 =	sand.u32 $0x1, s1  }
0x8c: {  	s17 =	sshll.u32 s0, $0xA;
	s2 =	sadd.s32 s3, s2  }
0x8d: {  	s2 =	sadd.s32 s2, s17  }
0x8e: {  	[smem:$0x3FC6] =	sst s2  }
0x8f: {  	_ = 	snop  }
0x90: {  	s2 =	sld [smem:$0x3FD0];
	(tm) =	ssettm $0x1  }
0x91: {  	s18 =	sld [smem:$0x3FFB];
	_ =	sdelay $0x3  }
0x92: {  	_ =	strace s18  }
0x93: {  	s3 =	sld [smem:$0x3FFC];
	_ =	sdelay $0x3  }
0x94: {  	_ =	strace s3  }
0x95: {  	s3 =	sld [smem:$0x3FFD];
	_ =	sdelay $0x3  }
0x96: {  	_ =	strace s3  }
0x97: {  	_ =	strace $0x8FFFFFFF  }
0x98: {  	s19 =	sld [smem:$0x3FDB];
	_ =	sdelay $0x1  }
0x99: {  	s4 =	simm.s32 $_scs_section_size  }
0x9a: {  	s5 =	simm.s32 $_size__tile_overlayer_lowered;
	s6 =	simm.s32 $_tile_overlayer_lowered  }
0x9b: {  	s22 =	simm.s32 $0x1BFF;
	s21 =	sshll.u32 s6, $0x1;
	s3 =	sadd.s32 s4, s19  }
0x9c: {  	s7 =	simm.s32 $0x0;
	s20 =	sshll.u32 s5, $0x1;
	s5 =	sadd.s32 s21, s3  }
0x9d: {  	[timem:s7], [sflag:s22] =	dma.local [hbm:s5], s20  }
0x9e: {  	_ =	swait.ge [sflag:s22], s20  }
0x9f: {  	s4 =	ssub.s32 $0x0, s20;
	[sflag:s22] =	ssyncset.done $0x0  }
0xa0: {  	[sflag:s22] =	ssyncadd.s32 s4;
	_ =	sdelay $0x1  }
0xa1: {  	s23 =	simm.s32 $0x1B8B  }
0xa2: {  	_ =	swait.ge [sflag:s23], $0x1  }
0xa3: {  	[sflag:s23] =	ssyncset.done $0x0  }
0xa4: {  	s25 =	simm.s32 $0x1B8E;
	s24 =	sld [smem:$0x3FFE];
	[sflag:s23] =	ssyncadd.s32 $0xFFFFFFFF  }
0xa5: {  	s26 =	simm.s32 $execute0_lowered;
	[smem:$0x3FD2] =	sst s25  }
0xa6: {  	s5 =	sshll.u32 s26, $0x1;
	_ =	strace $0x80000046;
	[dreg:$0x1] =	wrdreg $0xFFFFFFFF  }
0xa7: {  	s28 =	simm.s32 $_size_execute0_lowered;
	s3 =	sadd.s32 s3, s5;
	[dreg:$0x0] =	wrdreg $0x0  }
0xa8: {  	s5 =	sshll.u32 s28, $0x1;
	[dreg:$0x2] =	wrdreg s3  }
0xa9: {  	[dreg:$0x3] =	wrdreg s5  }
0xaa: {  	[dreg:$0x4] =	wrdreg $0xC0  }
0xab: {  	_ =	task [dreg:s7], $0x5FFFF  }
0xac: {  	[dreg:$0x1] =	wrdreg $0xFFFFFFFF  }
0xad: {  	[dreg:$0x0] =	wrdreg $0x60  }
0xae: {  	[dreg:$0x2] =	wrdreg s2  }
0xaf: {  	[dreg:$0x3] =	wrdreg s24  }
0xb0: {  	[dreg:$0x4] =	wrdreg $0x9  }
0xb1: {  	_ =	task.clear_ibuf [dreg:s7], $0x5FFFF;
	_ =	strace $0x90000046  }
0xb2: {  	s29 =	simm.s32 $0x9;
	_ =	strace $0x80000048  }
0xb3: {  	_ =	swait.ge [sflag:s29], $0x1  }
0xb4: {  	[sflag:s29] =	ssyncadd.s32 $0xFFFFFFFF  }
0xb5: {  	_ =	strace $0x90000048  }
0xb6: {  	_ =	sfence  }
0xb7: {  	s30 =	sld [smem:$0x0];
	_ =	sdelay $0x2  }
0xb8: {  	s31 =	sshll.u32 s1, $0xD;
	s1 =	sshrl.u32 s1, $0x2  }
0xb9: {  	s3 =	sand.u32 $0x4000, s31;
	s1 =	sadd.s32 s1, s30  }
0xba: {  	s0 =	sor.u32 s3, s0;
	s1 =	sshll.u32 s1, $0x11  }
0xbb: {  	s0 =	sor.u32 s1, s0  }
0xbc: {  	s0 =	sadd.s32 $0x8F2B, s0  }
0xbd: {  	[sflag:s0] =	ssyncadd.remote.s32 $0x1  }
0xbe: {  	_ =	sfence.sel $0xFFFF  }
0xbf: {  	[dreg:$0x0] =	wrdreg $0xFFFFFFFF;
	(pc) =	sbr.abs _section_cstart, $3  }
0xc0: {  	[dreg:$0x1] =	wrdreg $0xFFFFFFFF  }
0xc1: {  	_ =	task.clear_ibuf [dreg:s7], $0x2FFFF;
	_ =	strace $0x9FFFFFFF  }
0xc2: {  	(tm) =	ssettm $0x7FFFFFFF  }
0xc3: {  	_ =	shalt  }
tec
execute0_lowered:
.L_overlay_start_1:
0x0: {  	(tag) =	ssettag $0x1  }
0x1: {  	s1 =	rddreg [dreg:$0x0]  }
0x2: {  	s5 =	rddreg [dreg:$0x1];
	s2 =	srdreg.scid  }
0x3: {  	s0 =	rddreg [dreg:$0x2];
	s3 =	simm.s32 $0x0;
	s10 =	simm.s32 $0x1  }
0x4: {  	s11 =	simm.s32 $0x3100;
	s12 =	simm.s32 $0x6200;
	s13 =	simm.s32 $0x0  }
0x5: {  	s6 =	sand.u32 $0x1, s2;
	[smem:$0x7FF] =	sst s3;
	s2 =	stileid.u32  }
0x6: {  	s4 =	sadd.s32 $0x1000, s5;
	s5 =	sadd.s32 $0x4A800, s5;
	s7 =	ssub.s32 $0x2, s6  }
0x7: {  	_ =	strace $0x80000047;
	s9 =	sshll.u32 s2, $0x1;
	s8 =	sshrl.u32 s7, $0x1  }
0x8: {  	s6 =	sor.u32 s6, s9;
	s9 =	simm.s32 $0x400;
	s7 =	ssub.s32 s7, s8  }
0x9: {  	v0 =	vimm.f32 $0.0e+00;
	s6 =	smul.u32 $0x6, s6;
	s8 =	simm.s32 $0x80;
	s7 =	smax.u32 s7, $0x1  }
.LBB2_1:
0xa: {  	s14 =	simm.s32 $0x0  }
.LBB2_2:
0xb: {  	s16 =	sadd.s32 s6, s14  }
0xc: {  	s15 =	sshrl.u32 s16, $0x3  }
0xd: {  	s16 =	sshll.u32 s16, $0x7;
	s17 =	smul.u32 $0x18800, s15  }
0xe: {  	s16 =	sand.u32 $0x380, s16  }
0xf: {  	s17 =	sor.u32 s16, s17  }
0x10: {  	s17 =	sshrl.u32 s17, $0x3  }
0x11: {  	s18 =	sadd.s32 s1, s17  }
0x12: {  	[tilespmem:s3], [sflag:$0x1] =	stream.strided.gather [hbm4b:s18+s8], $0x3100, s9, s8, $0x38;
	[tilespmem:$0x12600] =	vst v63  }
0x13: {  	_ =	swait.ge [sflag:s10], $0x3100  }
0x14: {  	[sflag:s10] =	ssyncset.done $0x0  }
0x15: {  	s17 =	sadd.s32 s4, s17;
	[sflag:s10] =	ssyncadd.s32 $0xFFFFCF00  }
0x16: {  	[tilespmem:s11], [sflag:$0x1] =	stream.strided.gather [hbm4b:s17+s8], $0x3100, s9, s8, $0x38;
	[tilespmem:$0x12600] =	vst v63  }
0x17: {  	_ =	swait.ge [sflag:s10], $0x3100  }
0x18: {  	[sflag:s10] =	ssyncset.done $0x0  }
0x19: {  	s17 =	simm.s32 $0x6240;
	[sflag:s10] =	ssyncadd.s32 $0xFFFFCF00  }
0x1a: {  	[tilespmem:s17+$0xFFFFFFC0] =	vst v0  }
0x1b: {  	[tilespmem:s17+$0x30] =	vst v0  }
0x1c: {  	[tilespmem:s17+$0x20] =	vst v0  }
0x1d: {  	[tilespmem:s17+$0x10] =	vst v0  }
0x1e: {  	[tilespmem:s17+$0x0] =	vst v0  }
0x1f: {  	[tilespmem:s17+$0xFFFFFFF0] =	vst v0  }
0x20: {  	s18 =	simm.s32 $0x0;
	[tilespmem:s17+$0xFFFFFFE0] =	vst v0  }
.LBB2_3:
0x21: {  	s18 =	sadd.s32 $0x8, s18;
	[tilespmem:s17+$0xFFFFFFD0] =	vst v0;
	s17 =	sadd.s32 $0x80, s17  }
0x22: {  	[tilespmem:s17+$0xFFFFFFC0] =	vst v0;
	p0 =	slt.u32 s18, $0xC38  }
0x23: {  	[tilespmem:s17+$0x30] =	vst v0  }
.Ltmp0:
0x24: {  	[tilespmem:s17+$0x20] =	vst v0;
	(pc) =	sbr.rel @p0 .LBB2_3-.Ltmp0, $4  }
0x25: {  	[tilespmem:s17+$0x10] =	vst v0  }
0x26: {  	[tilespmem:s17+$0x0] =	vst v0  }
0x27: {  	[tilespmem:s17+$0xFFFFFFF0] =	vst v0  }
0x28: {  	[tilespmem:s17+$0xFFFFFFE0] =	vst v0  }
0x29: {  	[tilespmem:s17+$0xFFFFFFD0] =	vst v0;
	s18 =	simm.s32 $0x0;
	s17 =	simm.s32 $0x40  }
.LBB2_5:
0x2a: {  	p0 =	sne.s32 s17, $0xC3C0;
	v1 =	vld [tilespmem:s18+$0x3100];
	_ =	sdelay $0x2  }
0x2b: {  	v2 =	vld [tilespmem:s18+$0x0]  }
.Ltmp1:
0x2c: {  	(pc) =	sbr.rel @p0 .LBB2_5-.Ltmp1, $2  }
0x2d: {  	_ =	sdelay $0x2  }
0x2e: {  	s18 =	sshra.s32 s17, $0x2;
	s17 =	sadd.s32 $0x40, s17;
	[tilespmem:v1+s12+$0x0] =	vst.idx.msk $0xffff, v2  }
0x2f: {  	v1 =	vld [tilespmem:s18+$0x3100];
	_ =	sdelay $0x2  }
0x30: {  	v2 =	vld [tilespmem:s18+$0x0]  }
0x31: {  	s15 =	smul.u32 $0x62000, s15;
	_ =	sdelay $0x1  }
0x32: {  	s14 =	sadd.s32 $0x1, s14;
	s15 =	sor.u32 s16, s15  }
0x33: {  	p0 =	sne.s32 s14, $0x6;
	s15 =	sshrl.u32 s15, $0x3  }
.Ltmp2:
0x34: {  	s15 =	sadd.s32 s5, s15;
	[tilespmem:v1+s12+$0x0] =	vst.idx.msk $0xffff, v2;
	(pc) =	sbr.rel @p0 .LBB2_2-.Ltmp2, $4  }
0x35: {  	[hbm4b:s15+s8] =	stream.strided.scatter [tilespmem:s12], [sflag:$0x1], $0xC400, s9, s8, $0x38;
	[tilespmem:$0x12600] =	vst v63  }
0x36: {  	_ =	swait.ge [sflag:s10], $0xC400  }
0x37: {  	[sflag:s10] =	ssyncset.done $0x0  }
0x38: {  	[sflag:s10] =	ssyncadd.s32 $0xFFFF3C00  }
0x39: {  	s13 =	sadd.s32 $0x1, s13  }
0x3a: {  	p0 =	sne.s32 s13, s7  }
.Ltmp3:
0x3b: {  	_ = 	snop;
	(pc) =	sbr.rel @p0 .LBB2_1-.Ltmp3, $1  }
0x3c: {  	_ =	sdelay $0x3  }
0x3d: {  	_ =	sfence.sel $0x180000  }
0x3e: {  	[bflag:$0x0] =	sbarrier.arrive $0xFFFF  }
0x3f: {  	p0 =	sne.s32 s2, $0x0;
	_ =	strace $0x90000047  }
0x40: {  	s0 =	sadd.s32 @!p0 $0x100000, s0;
	[bflag:$0x2] =	sbarrier.arrive $0xFFFF  }
0x41: {  	[sflag:s0] =	ssyncadd.tile.s32 @!p0 $0x1;
	_ =	shalt  }
.Lfunc_end2:
_tile_overlayer_lowered:
.L_overlay_start_2:
0x42: {  	(tag) =	ssettag $0x2  }
0x43: {  	s0 =	rddreg [dreg:$0x0];
	s2 =	stileid.u32  }
0x44: {  	s1 =	rddreg [dreg:$0x1];
	p0 =	sne.s32 s2, $0x0  }
0x45: {  	s3 =	rddreg [dreg:$0x2];
	[bflag:$0x3] =	sbarrier.arrive $0xFFFF;
	s2 =	simm.s32 @!p0 $0x1C01  }
0x46: {  	[timem:s3], [sflag:s2] =	dma.local @!p0 [hbm:s0], s1  }
0x47: {  	s0 =	simm.s32 @!p0 $0x1  }
0x48: {  	_ =	swait.ge @!p0 [sflag:s0], s1  }
0x49: {  	s1 =	ssub.s32 @!p0 $0x0, s1;
	[sflag:s0] =	ssyncset.done @!p0 $0x0  }
0x4a: {  	[sflag:s0] =	ssyncadd.s32 @!p0 s1  }
0x4b: {  	[bflag:$0x3] =	sbarrier.arrive $0xFFFF  }
0x4c: {  	_ =	shalt  }

</sc_bundles>
